<compile_context>
chip_gen: v7x
topology: tpu7x:2x2x1
jax: 0.10.2.dev20260603
libtpu: 0.0.44.dev20260713+nightly
codegen_flags: <defaults>
</compile_context>

<pallas_src>
import jax
import jax.numpy as jnp
from jax import lax
from jax.experimental import pallas as pl
from jax.experimental.pallas import tpu as pltpu
from jax.experimental.pallas import tpu_sc as plsc

_H, _W = 128, 128
_HW = _H * _W
_L = 16


def _sc_scatter(loc_hbm, x_hbm, out_hbm, loc_v, row_v, col_v, x_v,
                buf_a, buf_b, sem_a, sem_b, sem_x):
    B, M, N = x_hbm.shape
    nhalf = N // 2
    nc = 2
    wid = lax.axis_index("s") * nc + lax.axis_index("c")
    b = wid // 2
    nlo = (wid % 2) * nhalf

    pltpu.sync_copy(loc_hbm.at[b], loc_v)
    pltpu.async_copy(x_hbm.at[b], x_v, sem_x)

    lane = lax.iota(jnp.int32, _L)

    def rc_body(mi, _):
        pair = 2 * (mi * _L + lane)
        row_v[pl.ds(mi * _L, _L)] = plsc.load_gather(loc_v, [pair])
        col_v[pl.ds(mi * _L, _L)] = plsc.load_gather(loc_v, [pair + 1])
        return 0

    lax.fori_loop(0, M // _L, rc_body, 0)

    def zero_body(r, _):
        for c in range(_W // _L):
            buf_a[r, pl.ds(c * _L, _L)] = jnp.zeros((_L,), jnp.float32)
            buf_b[r, pl.ds(c * _L, _L)] = jnp.zeros((_L,), jnp.float32)
        return 0

    lax.fori_loop(0, _H, zero_body, 0)

    pltpu.make_async_copy(x_hbm.at[b], x_v, sem_x).wait()

    def scatter_plane(n, buf):
        ncol = jnp.full((_L,), n, jnp.int32)

        def m_body(mo, _):
            for u in range(4):
                mi = mo * 4 + u
                sl = pl.ds(mi * _L, _L)
                val = plsc.load_gather(x_v, [mi * _L + lane, ncol])
                plsc.store_scatter(buf, [row_v[sl], col_v[sl]], val)
            return 0

        lax.fori_loop(0, M // (_L * 4), m_body, 0)

    def plane_pair(r2, _):
        n0 = nlo + 2 * r2
        n1 = nlo + 2 * r2 + 1

        @pl.when(r2 > 0)
        def _():
            pltpu.make_async_copy(buf_a, out_hbm.at[b, n0 - 2], sem_a).wait()

        scatter_plane(n0, buf_a)
        pltpu.async_copy(buf_a, out_hbm.at[b, n0], sem_a)

        @pl.when(r2 > 0)
        def _():
            pltpu.make_async_copy(buf_b, out_hbm.at[b, n1 - 2], sem_b).wait()

        scatter_plane(n1, buf_b)
        pltpu.async_copy(buf_b, out_hbm.at[b, n1], sem_b)
        return 0

    lax.fori_loop(0, nhalf // 2, plane_pair, 0)

    pltpu.make_async_copy(
        buf_a, out_hbm.at[b, nlo + nhalf - 2], sem_a).wait()
    pltpu.make_async_copy(
        buf_b, out_hbm.at[b, nlo + nhalf - 1], sem_b).wait()


def kernel(x, spatial_size, location):
    B, M, N = x.shape
    H, W = _H, _W
    del spatial_size
    loc1d = location.astype(jnp.int32).reshape(B, 2 * M)

    mesh = plsc.VectorSubcoreMesh(core_axis_name="c", subcore_axis_name="s")
    scatter = pl.kernel(
        _sc_scatter,
        mesh=mesh,
        out_type=jax.ShapeDtypeStruct((B, N, H, W), jnp.float32),
        scratch_types=[
            pltpu.VMEM((2 * M,), jnp.int32),
            pltpu.VMEM((M,), jnp.int32),
            pltpu.VMEM((M,), jnp.int32),
            pltpu.VMEM((M, N), jnp.float32),
            pltpu.VMEM((H, W), jnp.float32),
            pltpu.VMEM((H, W), jnp.float32),
            pltpu.SemaphoreType.DMA,
            pltpu.SemaphoreType.DMA,
            pltpu.SemaphoreType.DMA,
        ],
        compiler_params=pltpu.CompilerParams(needs_layout_passes=False),
    )
    return scatter(loc1d, x)

# --- scband reference (transcript-rebuilt; emitter-appended) ---
"""Pipeline reference for scband-scatter-connection-69758858822260 (READ-ONLY COPY).

The authoritative reference and input builder live on the scoring server;
editing this copy changes nothing except your own understanding.
"""

import jax, jax.numpy as jnp
import numpy as np

B, M, N = 16, 512, 128
H, W = 128, 128

def setup_inputs(seed: int = 0) -> dict:
    key = jax.random.key(seed)
    kx, kl = jax.random.split(key)
    x = jax.random.normal(kx, (B, M, N), dtype=jnp.float32)
    # Module contract: locations must be non-overlapping within each batch.
    # Draw M distinct cells out of H*W per batch via a random permutation.
    locs = []
    for b in range(B):
        perm = jax.random.permutation(jax.random.fold_in(kl, b), H * W)[:M]
        locs.append(jnp.stack([perm // W, perm % W], axis=-1))
    location = jnp.stack(locs, axis=0).astype(jnp.int32)
    return {"x": x, "spatial_size": (H, W), "location": location}

def reference(x, spatial_size, location):
    Hh, Ww = spatial_size
    Bb, Mm, Nn = x.shape
    # flat cell index per entity: (B, M)
    index = (location[:, :, 0] * Ww + location[:, :, 1]) % (Hh * Ww)
    # scatter-overwrite: out[b, index[b,m], :] = x[b, m, :]
    out = jnp.zeros((Bb, H * W, Nn), dtype=x.dtype)
    out = out.at[jnp.arange(Bb)[:, None], index].set(x)
    # (B, H*W, N) -> (B, N, H, W)
    out = jnp.transpose(out, (0, 2, 1)).reshape(Bb, Nn, H, W)
    return out

if __name__ == "__main__":
    import jax
    _d = setup_inputs()
    print(jax.jit(kernel)(*tuple(_d.values())))

</pallas_src>

<mosaic_0001>
#map = affine_map<(d0, d1) -> (0, 0)>
#map1 = affine_map<(d0, d1) -> (0, 0, 0)>
#map2 = affine_map<(d0, d1) -> (0, 0, 0, 0)>
module attributes {stable_mosaic.version = 14 : i64} {
  func.func @_sc_scatter(%arg0: i32, %arg1: i32, %arg2: memref<16x1024xi32, #tpu.memory_space<hbm>>, %arg3: memref<16x512x128xf32, #tpu.memory_space<hbm>>, %arg4: memref<16x128x128x128xf32, #tpu.memory_space<hbm>>, %arg5: memref<1024xi32, #tpu.memory_space<vmem>>, %arg6: memref<512xi32, #tpu.memory_space<vmem>>, %arg7: memref<512xi32, #tpu.memory_space<vmem>>, %arg8: memref<512x128xf32, #tpu.memory_space<vmem>>, %arg9: memref<128x128xf32, #tpu.memory_space<vmem>>, %arg10: memref<128x128xf32, #tpu.memory_space<vmem>>, %arg11: memref<!tpu.dma_semaphore, #tpu.memory_space<semaphore_mem>>, %arg12: memref<!tpu.dma_semaphore, #tpu.memory_space<semaphore_mem>>, %arg13: memref<!tpu.dma_semaphore, #tpu.memory_space<semaphore_mem>>) attributes {dimension_semantics = [#tpu.dimension_semantics<core_parallel>, #tpu.dimension_semantics<subcore_parallel>], iteration_bounds = array<i64: 2, 16>, scalar_prefetch = 0 : i64, scratch_operands = 9 : i64, tpu.core_type = #tpu.core_type<sc_vector_subcore>, window_params = [{transform_indices = #map}, {transform_indices = #map1}, {transform_indices = #map2}]} {
    %mul3A = arith.constant 2 : i32
    %mul3A_0 = arith.muli %arg1, %mul3A : i32
    %add3A = arith.addi %mul3A_0, %arg0 : i32
    %jit3A = arith.constant 2 : i32
    %div3A = arith.divsi %add3A, %jit3A : i32
    %sign3A = arith.constant 0 : i32
    %sign3A_1 = arith.cmpi sgt, %add3A, %sign3A : i32
    %sign3A_2 = arith.extui %sign3A_1 : i1 to i32
    %sign3A_3 = arith.constant 0 : i32
    %sign3A_4 = arith.cmpi slt, %add3A, %sign3A_3 : i32
    %sign3A_5 = arith.extui %sign3A_4 : i1 to i32
    %sign3A_6 = arith.subi %sign3A_2, %sign3A_5 : i32
    %sign3A_7 = arith.constant 0 : i32
    %sign3A_8 = arith.cmpi sgt, %jit3A, %sign3A_7 : i32
    %sign3A_9 = arith.extui %sign3A_8 : i1 to i32
    %sign3A_10 = arith.constant 0 : i32
    %sign3A_11 = arith.cmpi slt, %jit3A, %sign3A_10 : i32
    %sign3A_12 = arith.extui %sign3A_11 : i1 to i32
    %sign3A_13 = arith.subi %sign3A_9, %sign3A_12 : i32
    %ne3A = arith.cmpi ne, %sign3A_6, %sign3A_13 : i32
    %rem3A = arith.remsi %add3A, %jit3A : i32
    %ne3A_14 = arith.constant 0 : i32
    %ne3A_15 = arith.cmpi ne, %rem3A, %ne3A_14 : i32
    %and3A = arith.andi %ne3A, %ne3A_15 : i1
    %sub3A = arith.constant 1 : i32
    %sub3A_16 = arith.subi %div3A, %sub3A : i32
    %select_n3A = arith.select %and3A, %sub3A_16, %div3A : i32
    %jit3A_17 = arith.constant 2 : i32
    %eq3A = arith.constant 0 : i32
    %eq3A_18 = arith.cmpi eq, %jit3A_17, %eq3A : i32
    %jit3A_19 = arith.constant 1 : i32
    %select_n3A_20 = arith.select %eq3A_18, %jit3A_19, %jit3A_17 : i32
    %rem3A_21 = arith.remsi %add3A, %select_n3A_20 : i32
    %ne3A_22 = arith.constant 0 : i32
    %ne3A_23 = arith.cmpi ne, %rem3A_21, %ne3A_22 : i32
    %lt3A = arith.constant 0 : i32
    %lt3A_24 = arith.cmpi slt, %rem3A_21, %lt3A : i32
    %lt3A_25 = arith.constant 0 : i32
    %lt3A_26 = arith.cmpi slt, %select_n3A_20, %lt3A_25 : i32
    %ne3A_27 = arith.xori %lt3A_24, %lt3A_26 : i1
    %and3A_28 = arith.andi %ne3A_27, %ne3A_23 : i1
    %add3A_29 = arith.addi %rem3A_21, %select_n3A_20 : i32
    %select_n3A_30 = arith.select %and3A_28, %add3A_29, %rem3A_21 : i32
    %mul3A_31 = arith.constant 64 : i32
    %mul3A_32 = arith.muli %select_n3A_30, %mul3A_31 : i32
    "tpu.region"() ({
      %run_scoped3A = tpu.sem_alloc : memref<!tpu.dma_semaphore, #tpu.memory_space<semaphore_mem>>
      %dma_start3A_91 = arith.constant 0 : i32
      %dma_start3A_92 = tpu.memref_slice %arg2[%select_n3A, %dma_start3A_91] : memref<16x1024xi32, #tpu.memory_space<hbm>> -> memref<1x1024xi32, #tpu.memory_space<hbm>>
      %dma_start3A_93 = tpu.memref_squeeze %dma_start3A_92 : memref<1x1024xi32, #tpu.memory_space<hbm>> -> memref<1024xi32, #tpu.memory_space<hbm>>
      %dma_start3A_94 = arith.constant 0 : i32
      %dma_start3A_95 = tpu.memref_slice %arg2[%select_n3A, %dma_start3A_94] : memref<16x1024xi32, #tpu.memory_space<hbm>> -> memref<1x1024xi32, #tpu.memory_space<hbm>>
      %dma_start3A_96 = tpu.memref_squeeze %dma_start3A_95 : memref<1x1024xi32, #tpu.memory_space<hbm>> -> memref<1024xi32, #tpu.memory_space<hbm>>
      tpu.enqueue_dma source(%dma_start3A_96 : memref<1024xi32, #tpu.memory_space<hbm>>) target(%arg5 : memref<1024xi32, #tpu.memory_space<vmem>>) target_semaphore(%run_scoped3A : memref<!tpu.dma_semaphore, #tpu.memory_space<semaphore_mem>>)
      %dma_wait3A_97 = arith.constant 0 : i32
      %dma_wait3A_98 = tpu.memref_slice %arg2[%select_n3A, %dma_wait3A_97] : memref<16x1024xi32, #tpu.memory_space<hbm>> -> memref<1x1024xi32, #tpu.memory_space<hbm>>
      %dma_wait3A_99 = tpu.memref_squeeze %dma_wait3A_98 : memref<1x1024xi32, #tpu.memory_space<hbm>> -> memref<1024xi32, #tpu.memory_space<hbm>>
      %dma_wait3A_100 = arith.constant 0 : i32
      %dma_wait3A_101 = tpu.memref_slice %arg2[%select_n3A, %dma_wait3A_100] : memref<16x1024xi32, #tpu.memory_space<hbm>> -> memref<1x1024xi32, #tpu.memory_space<hbm>>
      %dma_wait3A_102 = tpu.memref_squeeze %dma_wait3A_101 : memref<1x1024xi32, #tpu.memory_space<hbm>> -> memref<1024xi32, #tpu.memory_space<hbm>>
      tpu.wait_dma2 semaphore(%run_scoped3A : memref<!tpu.dma_semaphore, #tpu.memory_space<semaphore_mem>>) src(%dma_wait3A_102 : memref<1024xi32, #tpu.memory_space<hbm>>) dst(%arg5 : memref<1024xi32, #tpu.memory_space<vmem>>)
      tpu.yield
    }) : () -> ()
    %dma_start3A = arith.constant 0 : i32
    %dma_start3A_33 = arith.constant 0 : i32
    %dma_start3A_34 = tpu.memref_slice %arg3[%select_n3A, %dma_start3A, %dma_start3A_33] : memref<16x512x128xf32, #tpu.memory_space<hbm>> -> memref<1x512x128xf32, #tpu.memory_space<hbm>>
    %dma_start3A_35 = tpu.memref_squeeze %dma_start3A_34 : memref<1x512x128xf32, #tpu.memory_space<hbm>> -> memref<512x128xf32, #tpu.memory_space<hbm>>
    %dma_start3A_36 = arith.constant 0 : i32
    %dma_start3A_37 = arith.constant 0 : i32
    %dma_start3A_38 = tpu.memref_slice %arg3[%select_n3A, %dma_start3A_36, %dma_start3A_37] : memref<16x512x128xf32, #tpu.memory_space<hbm>> -> memref<1x512x128xf32, #tpu.memory_space<hbm>>
    %dma_start3A_39 = tpu.memref_squeeze %dma_start3A_38 : memref<1x512x128xf32, #tpu.memory_space<hbm>> -> memref<512x128xf32, #tpu.memory_space<hbm>>
    tpu.enqueue_dma source(%dma_start3A_39 : memref<512x128xf32, #tpu.memory_space<hbm>>) target(%arg8 : memref<512x128xf32, #tpu.memory_space<vmem>>) target_semaphore(%arg13 : memref<!tpu.dma_semaphore, #tpu.memory_space<semaphore_mem>>)
    %iota3A = tpu.iota {dimensions = array<i32: 0>} : vector<16xi32>
    %scan3A = arith.constant 0 : i32
    %scan3A_40 = arith.constant 0 : i32
    %scan3A_41 = arith.constant 32 : i32
    %scan3A_42 = arith.addi %scan3A_40, %scan3A_41 : i32
    %scan3A_43 = arith.constant 1 : i32
    %scan3A_44 = scf.for %scan3A_91 = %scan3A_40 to %scan3A_42 step %scan3A_43 iter_args(%scan3A_92 = %scan3A) -> (i32)  : i32 {
      %mul3A_93 = arith.constant 16 : i32
      %mul3A_94 = arith.muli %scan3A_91, %mul3A_93 : i32
      %add3A_95 = vector.broadcast %mul3A_94 : i32 to vector<16xi32>
      %add3A_96 = arith.addi %add3A_95, %iota3A : vector<16xi32>
      %mul3A_97 = arith.constant 2 : i32
      %mul3A_98 = vector.broadcast %mul3A_97 : i32 to vector<16xi32>
      %mul3A_99 = arith.muli %mul3A_98, %add3A_96 : vector<16xi32>
      %gather3A = tpu.vector_load_idx %arg5[%mul3A_99] : memref<1024xi32, #tpu.memory_space<vmem>>[vector<16xi32>], vector<16xi32>,
      %mul3A_100 = arith.constant 16 : i32
      %mul3A_101 = arith.muli %scan3A_91, %mul3A_100 : i32
      %swap3A = arith.index_cast %mul3A_101 : i32 to index
      %swap3A_102 = tpu.vector_load %arg6[%swap3A] {strides = array<i32>} : memref<512xi32, #tpu.memory_space<vmem>>, vector<16xi32>,
      tpu.vector_store %arg6[%swap3A], %gather3A {strides = array<i32>} : memref<512xi32, #tpu.memory_space<vmem>>, vector<16xi32>,
      %add3A_103 = arith.constant 1 : i32
      %add3A_104 = vector.broadcast %add3A_103 : i32 to vector<16xi32>
      %add3A_105 = arith.addi %mul3A_99, %add3A_104 : vector<16xi32>
      %gather3A_106 = tpu.vector_load_idx %arg5[%add3A_105] : memref<1024xi32, #tpu.memory_space<vmem>>[vector<16xi32>], vector<16xi32>,
      %mul3A_107 = arith.constant 16 : i32
      %mul3A_108 = arith.muli %scan3A_91, %mul3A_107 : i32
      %swap3A_109 = arith.index_cast %mul3A_108 : i32 to index
      %swap3A_110 = tpu.vector_load %arg7[%swap3A_109] {strides = array<i32>} : memref<512xi32, #tpu.memory_space<vmem>>, vector<16xi32>,
      tpu.vector_store %arg7[%swap3A_109], %gather3A_106 {strides = array<i32>} : memref<512xi32, #tpu.memory_space<vmem>>, vector<16xi32>,
      %scan3A_111 = arith.constant 0 : i32
      scf.yield %scan3A_111 : i32
    }
    %scan3A_45 = arith.constant 32 : i32
    %scan3A_46 = arith.constant 0 : i32
    %scan3A_47 = arith.constant 0 : i32
    %scan3A_48 = arith.constant 128 : i32
    %scan3A_49 = arith.addi %scan3A_47, %scan3A_48 : i32
    %scan3A_50 = arith.constant 1 : i32
    %scan3A_51 = scf.for %scan3A_91 = %scan3A_47 to %scan3A_49 step %scan3A_50 iter_args(%scan3A_92 = %scan3A_46) -> (i32)  : i32 {
      %broadcast_in_dim3A = arith.constant 0.000000e+00 : f32
      %broadcast_in_dim3A_93 = vector.broadcast %broadcast_in_dim3A : f32 to vector<16xf32>
      %swap3A = arith.index_cast %scan3A_91 : i32 to index
      %swap3A_94 = arith.constant 0 : index
      %swap3A_95 = tpu.vector_load %arg9[%swap3A, %swap3A_94] {strides = array<i32>} : memref<128x128xf32, #tpu.memory_space<vmem>>, vector<16xf32>,
      tpu.vector_store %arg9[%swap3A, %swap3A_94], %broadcast_in_dim3A_93 {strides = array<i32>} : memref<128x128xf32, #tpu.memory_space<vmem>>, vector<16xf32>,
      %broadcast_in_dim3A_96 = arith.constant 0.000000e+00 : f32
      %broadcast_in_dim3A_97 = vector.broadcast %broadcast_in_dim3A_96 : f32 to vector<16xf32>
      %swap3A_98 = arith.index_cast %scan3A_91 : i32 to index
      %swap3A_99 = arith.constant 0 : index
      %swap3A_100 = tpu.vector_load %arg10[%swap3A_98, %swap3A_99] {strides = array<i32>} : memref<128x128xf32, #tpu.memory_space<vmem>>, vector<16xf32>,
      tpu.vector_store %arg10[%swap3A_98, %swap3A_99], %broadcast_in_dim3A_97 {strides = array<i32>} : memref<128x128xf32, #tpu.memory_space<vmem>>, vector<16xf32>,
      %broadcast_in_dim3A_101 = arith.constant 0.000000e+00 : f32
      %broadcast_in_dim3A_102 = vector.broadcast %broadcast_in_dim3A_101 : f32 to vector<16xf32>
      %swap3A_103 = arith.index_cast %scan3A_91 : i32 to index
      %swap3A_104 = arith.constant 16 : index
      %swap3A_105 = tpu.vector_load %arg9[%swap3A_103, %swap3A_104] {strides = array<i32>} : memref<128x128xf32, #tpu.memory_space<vmem>>, vector<16xf32>,
      tpu.vector_store %arg9[%swap3A_103, %swap3A_104], %broadcast_in_dim3A_102 {strides = array<i32>} : memref<128x128xf32, #tpu.memory_space<vmem>>, vector<16xf32>,
      %broadcast_in_dim3A_106 = arith.constant 0.000000e+00 : f32
      %broadcast_in_dim3A_107 = vector.broadcast %broadcast_in_dim3A_106 : f32 to vector<16xf32>
      %swap3A_108 = arith.index_cast %scan3A_91 : i32 to index
      %swap3A_109 = arith.constant 16 : index
      %swap3A_110 = tpu.vector_load %arg10[%swap3A_108, %swap3A_109] {strides = array<i32>} : memref<128x128xf32, #tpu.memory_space<vmem>>, vector<16xf32>,
      tpu.vector_store %arg10[%swap3A_108, %swap3A_109], %broadcast_in_dim3A_107 {strides = array<i32>} : memref<128x128xf32, #tpu.memory_space<vmem>>, vector<16xf32>,
      %broadcast_in_dim3A_111 = arith.constant 0.000000e+00 : f32
      %broadcast_in_dim3A_112 = vector.broadcast %broadcast_in_dim3A_111 : f32 to vector<16xf32>
      %swap3A_113 = arith.index_cast %scan3A_91 : i32 to index
      %swap3A_114 = arith.constant 32 : index
      %swap3A_115 = tpu.vector_load %arg9[%swap3A_113, %swap3A_114] {strides = array<i32>} : memref<128x128xf32, #tpu.memory_space<vmem>>, vector<16xf32>,
      tpu.vector_store %arg9[%swap3A_113, %swap3A_114], %broadcast_in_dim3A_112 {strides = array<i32>} : memref<128x128xf32, #tpu.memory_space<vmem>>, vector<16xf32>,
      %broadcast_in_dim3A_116 = arith.constant 0.000000e+00 : f32
      %broadcast_in_dim3A_117 = vector.broadcast %broadcast_in_dim3A_116 : f32 to vector<16xf32>
      %swap3A_118 = arith.index_cast %scan3A_91 : i32 to index
      %swap3A_119 = arith.constant 32 : index
      %swap3A_120 = tpu.vector_load %arg10[%swap3A_118, %swap3A_119] {strides = array<i32>} : memref<128x128xf32, #tpu.memory_space<vmem>>, vector<16xf32>,
      tpu.vector_store %arg10[%swap3A_118, %swap3A_119], %broadcast_in_dim3A_117 {strides = array<i32>} : memref<128x128xf32, #tpu.memory_space<vmem>>, vector<16xf32>,
      %broadcast_in_dim3A_121 = arith.constant 0.000000e+00 : f32
      %broadcast_in_dim3A_122 = vector.broadcast %broadcast_in_dim3A_121 : f32 to vector<16xf32>
      %swap3A_123 = arith.index_cast %scan3A_91 : i32 to index
      %swap3A_124 = arith.constant 48 : index
      %swap3A_125 = tpu.vector_load %arg9[%swap3A_123, %swap3A_124] {strides = array<i32>} : memref<128x128xf32, #tpu.memory_space<vmem>>, vector<16xf32>,
      tpu.vector_store %arg9[%swap3A_123, %swap3A_124], %broadcast_in_dim3A_122 {strides = array<i32>} : memref<128x128xf32, #tpu.memory_space<vmem>>, vector<16xf32>,
      %broadcast_in_dim3A_126 = arith.constant 0.000000e+00 : f32
      %broadcast_in_dim3A_127 = vector.broadcast %broadcast_in_dim3A_126 : f32 to vector<16xf32>
      %swap3A_128 = arith.index_cast %scan3A_91 : i32 to index
      %swap3A_129 = arith.constant 48 : index
      %swap3A_130 = tpu.vector_load %arg10[%swap3A_128, %swap3A_129] {strides = array<i32>} : memref<128x128xf32, #tpu.memory_space<vmem>>, vector<16xf32>,
      tpu.vector_store %arg10[%swap3A_128, %swap3A_129], %broadcast_in_dim3A_127 {strides = array<i32>} : memref<128x128xf32, #tpu.memory_space<vmem>>, vector<16xf32>,
      %broadcast_in_dim3A_131 = arith.constant 0.000000e+00 : f32
      %broadcast_in_dim3A_132 = vector.broadcast %broadcast_in_dim3A_131 : f32 to vector<16xf32>
      %swap3A_133 = arith.index_cast %scan3A_91 : i32 to index
      %swap3A_134 = arith.constant 64 : index
      %swap3A_135 = tpu.vector_load %arg9[%swap3A_133, %swap3A_134] {strides = array<i32>} : memref<128x128xf32, #tpu.memory_space<vmem>>, vector<16xf32>,
      tpu.vector_store %arg9[%swap3A_133, %swap3A_134], %broadcast_in_dim3A_132 {strides = array<i32>} : memref<128x128xf32, #tpu.memory_space<vmem>>, vector<16xf32>,
      %broadcast_in_dim3A_136 = arith.constant 0.000000e+00 : f32
      %broadcast_in_dim3A_137 = vector.broadcast %broadcast_in_dim3A_136 : f32 to vector<16xf32>
      %swap3A_138 = arith.index_cast %scan3A_91 : i32 to index
      %swap3A_139 = arith.constant 64 : index
      %swap3A_140 = tpu.vector_load %arg10[%swap3A_138, %swap3A_139] {strides = array<i32>} : memref<128x128xf32, #tpu.memory_space<vmem>>, vector<16xf32>,
      tpu.vector_store %arg10[%swap3A_138, %swap3A_139], %broadcast_in_dim3A_137 {strides = array<i32>} : memref<128x128xf32, #tpu.memory_space<vmem>>, vector<16xf32>,
      %broadcast_in_dim3A_141 = arith.constant 0.000000e+00 : f32
      %broadcast_in_dim3A_142 = vector.broadcast %broadcast_in_dim3A_141 : f32 to vector<16xf32>
      %swap3A_143 = arith.index_cast %scan3A_91 : i32 to index
      %swap3A_144 = arith.constant 80 : index
      %swap3A_145 = tpu.vector_load %arg9[%swap3A_143, %swap3A_144] {strides = array<i32>} : memref<128x128xf32, #tpu.memory_space<vmem>>, vector<16xf32>,
      tpu.vector_store %arg9[%swap3A_143, %swap3A_144], %broadcast_in_dim3A_142 {strides = array<i32>} : memref<128x128xf32, #tpu.memory_space<vmem>>, vector<16xf32>,
      %broadcast_in_dim3A_146 = arith.constant 0.000000e+00 : f32
      %broadcast_in_dim3A_147 = vector.broadcast %broadcast_in_dim3A_146 : f32 to vector<16xf32>
      %swap3A_148 = arith.index_cast %scan3A_91 : i32 to index
      %swap3A_149 = arith.constant 80 : index
      %swap3A_150 = tpu.vector_load %arg10[%swap3A_148, %swap3A_149] {strides = array<i32>} : memref<128x128xf32, #tpu.memory_space<vmem>>, vector<16xf32>,
      tpu.vector_store %arg10[%swap3A_148, %swap3A_149], %broadcast_in_dim3A_147 {strides = array<i32>} : memref<128x128xf32, #tpu.memory_space<vmem>>, vector<16xf32>,
      %broadcast_in_dim3A_151 = arith.constant 0.000000e+00 : f32
      %broadcast_in_dim3A_152 = vector.broadcast %broadcast_in_dim3A_151 : f32 to vector<16xf32>
      %swap3A_153 = arith.index_cast %scan3A_91 : i32 to index
      %swap3A_154 = arith.constant 96 : index
      %swap3A_155 = tpu.vector_load %arg9[%swap3A_153, %swap3A_154] {strides = array<i32>} : memref<128x128xf32, #tpu.memory_space<vmem>>, vector<16xf32>,
      tpu.vector_store %arg9[%swap3A_153, %swap3A_154], %broadcast_in_dim3A_152 {strides = array<i32>} : memref<128x128xf32, #tpu.memory_space<vmem>>, vector<16xf32>,
      %broadcast_in_dim3A_156 = arith.constant 0.000000e+00 : f32
      %broadcast_in_dim3A_157 = vector.broadcast %broadcast_in_dim3A_156 : f32 to vector<16xf32>
      %swap3A_158 = arith.index_cast %scan3A_91 : i32 to index
      %swap3A_159 = arith.constant 96 : index
      %swap3A_160 = tpu.vector_load %arg10[%swap3A_158, %swap3A_159] {strides = array<i32>} : memref<128x128xf32, #tpu.memory_space<vmem>>, vector<16xf32>,
      tpu.vector_store %arg10[%swap3A_158, %swap3A_159], %broadcast_in_dim3A_157 {strides = array<i32>} : memref<128x128xf32, #tpu.memory_space<vmem>>, vector<16xf32>,
      %broadcast_in_dim3A_161 = arith.constant 0.000000e+00 : f32
      %broadcast_in_dim3A_162 = vector.broadcast %broadcast_in_dim3A_161 : f32 to vector<16xf32>
      %swap3A_163 = arith.index_cast %scan3A_91 : i32 to index
      %swap3A_164 = arith.constant 112 : index
      %swap3A_165 = tpu.vector_load %arg9[%swap3A_163, %swap3A_164] {strides = array<i32>} : memref<128x128xf32, #tpu.memory_space<vmem>>, vector<16xf32>,
      tpu.vector_store %arg9[%swap3A_163, %swap3A_164], %broadcast_in_dim3A_162 {strides = array<i32>} : memref<128x128xf32, #tpu.memory_space<vmem>>, vector<16xf32>,
      %broadcast_in_dim3A_166 = arith.constant 0.000000e+00 : f32
      %broadcast_in_dim3A_167 = vector.broadcast %broadcast_in_dim3A_166 : f32 to vector<16xf32>
      %swap3A_168 = arith.index_cast %scan3A_91 : i32 to index
      %swap3A_169 = arith.constant 112 : index
      %swap3A_170 = tpu.vector_load %arg10[%swap3A_168, %swap3A_169] {strides = array<i32>} : memref<128x128xf32, #tpu.memory_space<vmem>>, vector<16xf32>,
      tpu.vector_store %arg10[%swap3A_168, %swap3A_169], %broadcast_in_dim3A_167 {strides = array<i32>} : memref<128x128xf32, #tpu.memory_space<vmem>>, vector<16xf32>,
      %scan3A_171 = arith.constant 0 : i32
      scf.yield %scan3A_171 : i32
    }
    %scan3A_52 = arith.constant 128 : i32
    %dma_wait3A = arith.constant 0 : i32
    %dma_wait3A_53 = arith.constant 0 : i32
    %dma_wait3A_54 = tpu.memref_slice %arg3[%select_n3A, %dma_wait3A, %dma_wait3A_53] : memref<16x512x128xf32, #tpu.memory_space<hbm>> -> memref<1x512x128xf32, #tpu.memory_space<hbm>>
    %dma_wait3A_55 = tpu.memref_squeeze %dma_wait3A_54 : memref<1x512x128xf32, #tpu.memory_space<hbm>> -> memref<512x128xf32, #tpu.memory_space<hbm>>
    %dma_wait3A_56 = arith.constant 0 : i32
    %dma_wait3A_57 = arith.constant 0 : i32
    %dma_wait3A_58 = tpu.memref_slice %arg3[%select_n3A, %dma_wait3A_56, %dma_wait3A_57] : memref<16x512x128xf32, #tpu.memory_space<hbm>> -> memref<1x512x128xf32, #tpu.memory_space<hbm>>
    %dma_wait3A_59 = tpu.memref_squeeze %dma_wait3A_58 : memref<1x512x128xf32, #tpu.memory_space<hbm>> -> memref<512x128xf32, #tpu.memory_space<hbm>>
    tpu.wait_dma2 semaphore(%arg13 : memref<!tpu.dma_semaphore, #tpu.memory_space<semaphore_mem>>) src(%dma_wait3A_59 : memref<512x128xf32, #tpu.memory_space<hbm>>) dst(%arg8 : memref<512x128xf32, #tpu.memory_space<vmem>>)
    %scan3A_60 = arith.constant 0 : i32
    %scan3A_61 = arith.constant 0 : i32
    %scan3A_62 = arith.constant 32 : i32
    %scan3A_63 = arith.addi %scan3A_61, %scan3A_62 : i32
    %scan3A_64 = arith.constant 1 : i32
    %scan3A_65 = scf.for %scan3A_91 = %scan3A_61 to %scan3A_63 step %scan3A_64 iter_args(%scan3A_92 = %scan3A_60) -> (i32)  : i32 {
      %mul3A_93 = arith.constant 2 : i32
      %mul3A_94 = arith.muli %mul3A_93, %scan3A_91 : i32
      %add3A_95 = arith.addi %mul3A_32, %mul3A_94 : i32
      %mul3A_96 = arith.constant 2 : i32
      %mul3A_97 = arith.muli %mul3A_96, %scan3A_91 : i32
      %add3A_98 = arith.addi %mul3A_32, %mul3A_97 : i32
      %add3A_99 = arith.constant 1 : i32
      %add3A_100 = arith.addi %add3A_98, %add3A_99 : i32
      %gt3A = arith.constant 0 : i32
      %gt3A_101 = arith.cmpi sgt, %scan3A_91, %gt3A : i32
      %convert_element_type3A = arith.extui %gt3A_101 : i1 to i32
      %cond3A = arith.constant 0 : i32
      %cond3A_102 = arith.cmpi ne, %convert_element_type3A, %cond3A : i32
      scf.if %cond3A_102 {
        %sub3A_140 = arith.constant 2 : i32
        %sub3A_141 = arith.subi %add3A_95, %sub3A_140 : i32
        %dma_wait3A_142 = arith.constant 0 : i32
        %dma_wait3A_143 = arith.constant 0 : i32
        %dma_wait3A_144 = tpu.memref_slice %arg4[%select_n3A, %sub3A_141, %dma_wait3A_142, %dma_wait3A_143] : memref<16x128x128x128xf32, #tpu.memory_space<hbm>> -> memref<1x1x128x128xf32, #tpu.memory_space<hbm>>
        %dma_wait3A_145 = tpu.memref_squeeze %dma_wait3A_144 : memref<1x1x128x128xf32, #tpu.memory_space<hbm>> -> memref<128x128xf32, #tpu.memory_space<hbm>>
        %dma_wait3A_146 = arith.constant 0 : i32
        %dma_wait3A_147 = arith.constant 0 : i32
        %dma_wait3A_148 = tpu.memref_slice %arg4[%select_n3A, %sub3A_141, %dma_wait3A_146, %dma_wait3A_147] : memref<16x128x128x128xf32, #tpu.memory_space<hbm>> -> memref<1x1x128x128xf32, #tpu.memory_space<hbm>>
        %dma_wait3A_149 = tpu.memref_squeeze %dma_wait3A_148 : memref<1x1x128x128xf32, #tpu.memory_space<hbm>> -> memref<128x128xf32, #tpu.memory_space<hbm>>
        tpu.wait_dma2 semaphore(%arg11 : memref<!tpu.dma_semaphore, #tpu.memory_space<semaphore_mem>>) src(%arg9 : memref<128x128xf32, #tpu.memory_space<vmem>>) dst(%dma_wait3A_149 : memref<128x128xf32, #tpu.memory_space<hbm>>)
      } else {
      }
      %broadcast_in_dim3A = vector.broadcast %add3A_95 : i32 to vector<16xi32>
      %scan3A_103 = arith.constant 0 : i32
      %scan3A_104 = arith.constant 0 : i32
      %scan3A_105 = arith.constant 8 : i32
      %scan3A_106 = arith.addi %scan3A_104, %scan3A_105 : i32
      %scan3A_107 = arith.constant 1 : i32
      %scan3A_108 = scf.for %scan3A_140 = %scan3A_104 to %scan3A_106 step %scan3A_107 iter_args(%scan3A_141 = %scan3A_103) -> (i32)  : i32 {
        %mul3A_142 = arith.constant 4 : i32
        %mul3A_143 = arith.muli %scan3A_140, %mul3A_142 : i32
        %add3A_144 = arith.constant 0 : i32
        %add3A_145 = arith.addi %mul3A_143, %add3A_144 : i32
        %mul3A_146 = arith.constant 16 : i32
        %mul3A_147 = arith.muli %add3A_145, %mul3A_146 : i32
        %mul3A_148 = arith.constant 16 : i32
        %mul3A_149 = arith.muli %add3A_145, %mul3A_148 : i32
        %add3A_150 = vector.broadcast %mul3A_149 : i32 to vector<16xi32>
        %add3A_151 = arith.addi %add3A_150, %iota3A : vector<16xi32>
        %gather3A = tpu.vector_load_idx %arg8[%add3A_151, %broadcast_in_dim3A] : memref<512x128xf32, #tpu.memory_space<vmem>>[vector<16xi32>, vector<16xi32>], vector<16xf32>,
        %get3A = arith.index_cast %mul3A_147 : i32 to index
        %get3A_152 = tpu.vector_load %arg6[%get3A] {strides = array<i32>} : memref<512xi32, #tpu.memory_space<vmem>>, vector<16xi32>,
        %get3A_153 = arith.index_cast %mul3A_147 : i32 to index
        %get3A_154 = tpu.vector_load %arg7[%get3A_153] {strides = array<i32>} : memref<512xi32, #tpu.memory_space<vmem>>, vector<16xi32>,
        tpu.vector_store_idx %arg9[%get3A_152, %get3A_154], %gather3A : memref<128x128xf32, #tpu.memory_space<vmem>>[vector<16xi32>, vector<16xi32>], vector<16xf32>,
        %mul3A_155 = arith.constant 4 : i32
        %mul3A_156 = arith.muli %scan3A_140, %mul3A_155 : i32
        %add3A_157 = arith.constant 1 : i32
        %add3A_158 = arith.addi %mul3A_156, %add3A_157 : i32
        %mul3A_159 = arith.constant 16 : i32
        %mul3A_160 = arith.muli %add3A_158, %mul3A_159 : i32
        %mul3A_161 = arith.constant 16 : i32
        %mul3A_162 = arith.muli %add3A_158, %mul3A_161 : i32
        %add3A_163 = vector.broadcast %mul3A_162 : i32 to vector<16xi32>
        %add3A_164 = arith.addi %add3A_163, %iota3A : vector<16xi32>
        %gather3A_165 = tpu.vector_load_idx %arg8[%add3A_164, %broadcast_in_dim3A] : memref<512x128xf32, #tpu.memory_space<vmem>>[vector<16xi32>, vector<16xi32>], vector<16xf32>,
        %get3A_166 = arith.index_cast %mul3A_160 : i32 to index
        %get3A_167 = tpu.vector_load %arg6[%get3A_166] {strides = array<i32>} : memref<512xi32, #tpu.memory_space<vmem>>, vector<16xi32>,
        %get3A_168 = arith.index_cast %mul3A_160 : i32 to index
        %get3A_169 = tpu.vector_load %arg7[%get3A_168] {strides = array<i32>} : memref<512xi32, #tpu.memory_space<vmem>>, vector<16xi32>,
        tpu.vector_store_idx %arg9[%get3A_167, %get3A_169], %gather3A_165 : memref<128x128xf32, #tpu.memory_space<vmem>>[vector<16xi32>, vector<16xi32>], vector<16xf32>,
        %mul3A_170 = arith.constant 4 : i32
        %mul3A_171 = arith.muli %scan3A_140, %mul3A_170 : i32
        %add3A_172 = arith.constant 2 : i32
        %add3A_173 = arith.addi %mul3A_171, %add3A_172 : i32
        %mul3A_174 = arith.constant 16 : i32
        %mul3A_175 = arith.muli %add3A_173, %mul3A_174 : i32
        %mul3A_176 = arith.constant 16 : i32
        %mul3A_177 = arith.muli %add3A_173, %mul3A_176 : i32
        %add3A_178 = vector.broadcast %mul3A_177 : i32 to vector<16xi32>
        %add3A_179 = arith.addi %add3A_178, %iota3A : vector<16xi32>
        %gather3A_180 = tpu.vector_load_idx %arg8[%add3A_179, %broadcast_in_dim3A] : memref<512x128xf32, #tpu.memory_space<vmem>>[vector<16xi32>, vector<16xi32>], vector<16xf32>,
        %get3A_181 = arith.index_cast %mul3A_175 : i32 to index
        %get3A_182 = tpu.vector_load %arg6[%get3A_181] {strides = array<i32>} : memref<512xi32, #tpu.memory_space<vmem>>, vector<16xi32>,
        %get3A_183 = arith.index_cast %mul3A_175 : i32 to index
        %get3A_184 = tpu.vector_load %arg7[%get3A_183] {strides = array<i32>} : memref<512xi32, #tpu.memory_space<vmem>>, vector<16xi32>,
        tpu.vector_store_idx %arg9[%get3A_182, %get3A_184], %gather3A_180 : memref<128x128xf32, #tpu.memory_space<vmem>>[vector<16xi32>, vector<16xi32>], vector<16xf32>,
        %mul3A_185 = arith.constant 4 : i32
        %mul3A_186 = arith.muli %scan3A_140, %mul3A_185 : i32
        %add3A_187 = arith.constant 3 : i32
        %add3A_188 = arith.addi %mul3A_186, %add3A_187 : i32
        %mul3A_189 = arith.constant 16 : i32
        %mul3A_190 = arith.muli %add3A_188, %mul3A_189 : i32
        %mul3A_191 = arith.constant 16 : i32
        %mul3A_192 = arith.muli %add3A_188, %mul3A_191 : i32
        %add3A_193 = vector.broadcast %mul3A_192 : i32 to vector<16xi32>
        %add3A_194 = arith.addi %add3A_193, %iota3A : vector<16xi32>
        %gather3A_195 = tpu.vector_load_idx %arg8[%add3A_194, %broadcast_in_dim3A] : memref<512x128xf32, #tpu.memory_space<vmem>>[vector<16xi32>, vector<16xi32>], vector<16xf32>,
        %get3A_196 = arith.index_cast %mul3A_190 : i32 to index
        %get3A_197 = tpu.vector_load %arg6[%get3A_196] {strides = array<i32>} : memref<512xi32, #tpu.memory_space<vmem>>, vector<16xi32>,
        %get3A_198 = arith.index_cast %mul3A_190 : i32 to index
        %get3A_199 = tpu.vector_load %arg7[%get3A_198] {strides = array<i32>} : memref<512xi32, #tpu.memory_space<vmem>>, vector<16xi32>,
        tpu.vector_store_idx %arg9[%get3A_197, %get3A_199], %gather3A_195 : memref<128x128xf32, #tpu.memory_space<vmem>>[vector<16xi32>, vector<16xi32>], vector<16xf32>,
        %scan3A_200 = arith.constant 0 : i32
        scf.yield %scan3A_200 : i32
      }
      %scan3A_109 = arith.constant 8 : i32
      %dma_start3A_110 = arith.constant 0 : i32
      %dma_start3A_111 = arith.constant 0 : i32
      %dma_start3A_112 = tpu.memref_slice %arg4[%select_n3A, %add3A_95, %dma_start3A_110, %dma_start3A_111] : memref<16x128x128x128xf32, #tpu.memory_space<hbm>> -> memref<1x1x128x128xf32, #tpu.memory_space<hbm>>
      %dma_start3A_113 = tpu.memref_squeeze %dma_start3A_112 : memref<1x1x128x128xf32, #tpu.memory_space<hbm>> -> memref<128x128xf32, #tpu.memory_space<hbm>>
      %dma_start3A_114 = arith.constant 0 : i32
      %dma_start3A_115 = arith.constant 0 : i32
      %dma_start3A_116 = tpu.memref_slice %arg4[%select_n3A, %add3A_95, %dma_start3A_114, %dma_start3A_115] : memref<16x128x128x128xf32, #tpu.memory_space<hbm>> -> memref<1x1x128x128xf32, #tpu.memory_space<hbm>>
      %dma_start3A_117 = tpu.memref_squeeze %dma_start3A_116 : memref<1x1x128x128xf32, #tpu.memory_space<hbm>> -> memref<128x128xf32, #tpu.memory_space<hbm>>
      tpu.enqueue_dma source(%arg9 : memref<128x128xf32, #tpu.memory_space<vmem>>) target(%dma_start3A_117 : memref<128x128xf32, #tpu.memory_space<hbm>>) target_semaphore(%arg11 : memref<!tpu.dma_semaphore, #tpu.memory_space<semaphore_mem>>)
      %gt3A_118 = arith.constant 0 : i32
      %gt3A_119 = arith.cmpi sgt, %scan3A_91, %gt3A_118 : i32
      %convert_element_type3A_120 = arith.extui %gt3A_119 : i1 to i32
      %cond3A_121 = arith.constant 0 : i32
      %cond3A_122 = arith.cmpi ne, %convert_element_type3A_120, %cond3A_121 : i32
      scf.if %cond3A_122 {
        %sub3A_140 = arith.constant 2 : i32
        %sub3A_141 = arith.subi %add3A_100, %sub3A_140 : i32
        %dma_wait3A_142 = arith.constant 0 : i32
        %dma_wait3A_143 = arith.constant 0 : i32
        %dma_wait3A_144 = tpu.memref_slice %arg4[%select_n3A, %sub3A_141, %dma_wait3A_142, %dma_wait3A_143] : memref<16x128x128x128xf32, #tpu.memory_space<hbm>> -> memref<1x1x128x128xf32, #tpu.memory_space<hbm>>
        %dma_wait3A_145 = tpu.memref_squeeze %dma_wait3A_144 : memref<1x1x128x128xf32, #tpu.memory_space<hbm>> -> memref<128x128xf32, #tpu.memory_space<hbm>>
        %dma_wait3A_146 = arith.constant 0 : i32
        %dma_wait3A_147 = arith.constant 0 : i32
        %dma_wait3A_148 = tpu.memref_slice %arg4[%select_n3A, %sub3A_141, %dma_wait3A_146, %dma_wait3A_147] : memref<16x128x128x128xf32, #tpu.memory_space<hbm>> -> memref<1x1x128x128xf32, #tpu.memory_space<hbm>>
        %dma_wait3A_149 = tpu.memref_squeeze %dma_wait3A_148 : memref<1x1x128x128xf32, #tpu.memory_space<hbm>> -> memref<128x128xf32, #tpu.memory_space<hbm>>
        tpu.wait_dma2 semaphore(%arg12 : memref<!tpu.dma_semaphore, #tpu.memory_space<semaphore_mem>>) src(%arg10 : memref<128x128xf32, #tpu.memory_space<vmem>>) dst(%dma_wait3A_149 : memref<128x128xf32, #tpu.memory_space<hbm>>)
      } else {
      }
      %broadcast_in_dim3A_123 = vector.broadcast %add3A_100 : i32 to vector<16xi32>
      %scan3A_124 = arith.constant 0 : i32
      %scan3A_125 = arith.constant 0 : i32
      %scan3A_126 = arith.constant 8 : i32
      %scan3A_127 = arith.addi %scan3A_125, %scan3A_126 : i32
      %scan3A_128 = arith.constant 1 : i32
      %scan3A_129 = scf.for %scan3A_140 = %scan3A_125 to %scan3A_127 step %scan3A_128 iter_args(%scan3A_141 = %scan3A_124) -> (i32)  : i32 {
        %mul3A_142 = arith.constant 4 : i32
        %mul3A_143 = arith.muli %scan3A_140, %mul3A_142 : i32
        %add3A_144 = arith.constant 0 : i32
        %add3A_145 = arith.addi %mul3A_143, %add3A_144 : i32
        %mul3A_146 = arith.constant 16 : i32
        %mul3A_147 = arith.muli %add3A_145, %mul3A_146 : i32
        %mul3A_148 = arith.constant 16 : i32
        %mul3A_149 = arith.muli %add3A_145, %mul3A_148 : i32
        %add3A_150 = vector.broadcast %mul3A_149 : i32 to vector<16xi32>
        %add3A_151 = arith.addi %add3A_150, %iota3A : vector<16xi32>
        %gather3A = tpu.vector_load_idx %arg8[%add3A_151, %broadcast_in_dim3A_123] : memref<512x128xf32, #tpu.memory_space<vmem>>[vector<16xi32>, vector<16xi32>], vector<16xf32>,
        %get3A = arith.index_cast %mul3A_147 : i32 to index
        %get3A_152 = tpu.vector_load %arg6[%get3A] {strides = array<i32>} : memref<512xi32, #tpu.memory_space<vmem>>, vector<16xi32>,
        %get3A_153 = arith.index_cast %mul3A_147 : i32 to index
        %get3A_154 = tpu.vector_load %arg7[%get3A_153] {strides = array<i32>} : memref<512xi32, #tpu.memory_space<vmem>>, vector<16xi32>,
        tpu.vector_store_idx %arg10[%get3A_152, %get3A_154], %gather3A : memref<128x128xf32, #tpu.memory_space<vmem>>[vector<16xi32>, vector<16xi32>], vector<16xf32>,
        %mul3A_155 = arith.constant 4 : i32
        %mul3A_156 = arith.muli %scan3A_140, %mul3A_155 : i32
        %add3A_157 = arith.constant 1 : i32
        %add3A_158 = arith.addi %mul3A_156, %add3A_157 : i32
        %mul3A_159 = arith.constant 16 : i32
        %mul3A_160 = arith.muli %add3A_158, %mul3A_159 : i32
        %mul3A_161 = arith.constant 16 : i32
        %mul3A_162 = arith.muli %add3A_158, %mul3A_161 : i32
        %add3A_163 = vector.broadcast %mul3A_162 : i32 to vector<16xi32>
        %add3A_164 = arith.addi %add3A_163, %iota3A : vector<16xi32>
        %gather3A_165 = tpu.vector_load_idx %arg8[%add3A_164, %broadcast_in_dim3A_123] : memref<512x128xf32, #tpu.memory_space<vmem>>[vector<16xi32>, vector<16xi32>], vector<16xf32>,
        %get3A_166 = arith.index_cast %mul3A_160 : i32 to index
        %get3A_167 = tpu.vector_load %arg6[%get3A_166] {strides = array<i32>} : memref<512xi32, #tpu.memory_space<vmem>>, vector<16xi32>,
        %get3A_168 = arith.index_cast %mul3A_160 : i32 to index
        %get3A_169 = tpu.vector_load %arg7[%get3A_168] {strides = array<i32>} : memref<512xi32, #tpu.memory_space<vmem>>, vector<16xi32>,
        tpu.vector_store_idx %arg10[%get3A_167, %get3A_169], %gather3A_165 : memref<128x128xf32, #tpu.memory_space<vmem>>[vector<16xi32>, vector<16xi32>], vector<16xf32>,
        %mul3A_170 = arith.constant 4 : i32
        %mul3A_171 = arith.muli %scan3A_140, %mul3A_170 : i32
        %add3A_172 = arith.constant 2 : i32
        %add3A_173 = arith.addi %mul3A_171, %add3A_172 : i32
        %mul3A_174 = arith.constant 16 : i32
        %mul3A_175 = arith.muli %add3A_173, %mul3A_174 : i32
        %mul3A_176 = arith.constant 16 : i32
        %mul3A_177 = arith.muli %add3A_173, %mul3A_176 : i32
        %add3A_178 = vector.broadcast %mul3A_177 : i32 to vector<16xi32>
        %add3A_179 = arith.addi %add3A_178, %iota3A : vector<16xi32>
        %gather3A_180 = tpu.vector_load_idx %arg8[%add3A_179, %broadcast_in_dim3A_123] : memref<512x128xf32, #tpu.memory_space<vmem>>[vector<16xi32>, vector<16xi32>], vector<16xf32>,
        %get3A_181 = arith.index_cast %mul3A_175 : i32 to index
        %get3A_182 = tpu.vector_load %arg6[%get3A_181] {strides = array<i32>} : memref<512xi32, #tpu.memory_space<vmem>>, vector<16xi32>,
        %get3A_183 = arith.index_cast %mul3A_175 : i32 to index
        %get3A_184 = tpu.vector_load %arg7[%get3A_183] {strides = array<i32>} : memref<512xi32, #tpu.memory_space<vmem>>, vector<16xi32>,
        tpu.vector_store_idx %arg10[%get3A_182, %get3A_184], %gather3A_180 : memref<128x128xf32, #tpu.memory_space<vmem>>[vector<16xi32>, vector<16xi32>], vector<16xf32>,
        %mul3A_185 = arith.constant 4 : i32
        %mul3A_186 = arith.muli %scan3A_140, %mul3A_185 : i32
        %add3A_187 = arith.constant 3 : i32
        %add3A_188 = arith.addi %mul3A_186, %add3A_187 : i32
        %mul3A_189 = arith.constant 16 : i32
        %mul3A_190 = arith.muli %add3A_188, %mul3A_189 : i32
        %mul3A_191 = arith.constant 16 : i32
        %mul3A_192 = arith.muli %add3A_188, %mul3A_191 : i32
        %add3A_193 = vector.broadcast %mul3A_192 : i32 to vector<16xi32>
        %add3A_194 = arith.addi %add3A_193, %iota3A : vector<16xi32>
        %gather3A_195 = tpu.vector_load_idx %arg8[%add3A_194, %broadcast_in_dim3A_123] : memref<512x128xf32, #tpu.memory_space<vmem>>[vector<16xi32>, vector<16xi32>], vector<16xf32>,
        %get3A_196 = arith.index_cast %mul3A_190 : i32 to index
        %get3A_197 = tpu.vector_load %arg6[%get3A_196] {strides = array<i32>} : memref<512xi32, #tpu.memory_space<vmem>>, vector<16xi32>,
        %get3A_198 = arith.index_cast %mul3A_190 : i32 to index
        %get3A_199 = tpu.vector_load %arg7[%get3A_198] {strides = array<i32>} : memref<512xi32, #tpu.memory_space<vmem>>, vector<16xi32>,
        tpu.vector_store_idx %arg10[%get3A_197, %get3A_199], %gather3A_195 : memref<128x128xf32, #tpu.memory_space<vmem>>[vector<16xi32>, vector<16xi32>], vector<16xf32>,
        %scan3A_200 = arith.constant 0 : i32
        scf.yield %scan3A_200 : i32
      }
      %scan3A_130 = arith.constant 8 : i32
      %dma_start3A_131 = arith.constant 0 : i32
      %dma_start3A_132 = arith.constant 0 : i32
      %dma_start3A_133 = tpu.memref_slice %arg4[%select_n3A, %add3A_100, %dma_start3A_131, %dma_start3A_132] : memref<16x128x128x128xf32, #tpu.memory_space<hbm>> -> memref<1x1x128x128xf32, #tpu.memory_space<hbm>>
      %dma_start3A_134 = tpu.memref_squeeze %dma_start3A_133 : memref<1x1x128x128xf32, #tpu.memory_space<hbm>> -> memref<128x128xf32, #tpu.memory_space<hbm>>
      %dma_start3A_135 = arith.constant 0 : i32
      %dma_start3A_136 = arith.constant 0 : i32
      %dma_start3A_137 = tpu.memref_slice %arg4[%select_n3A, %add3A_100, %dma_start3A_135, %dma_start3A_136] : memref<16x128x128x128xf32, #tpu.memory_space<hbm>> -> memref<1x1x128x128xf32, #tpu.memory_space<hbm>>
      %dma_start3A_138 = tpu.memref_squeeze %dma_start3A_137 : memref<1x1x128x128xf32, #tpu.memory_space<hbm>> -> memref<128x128xf32, #tpu.memory_space<hbm>>
      tpu.enqueue_dma source(%arg10 : memref<128x128xf32, #tpu.memory_space<vmem>>) target(%dma_start3A_138 : memref<128x128xf32, #tpu.memory_space<hbm>>) target_semaphore(%arg12 : memref<!tpu.dma_semaphore, #tpu.memory_space<semaphore_mem>>)
      %scan3A_139 = arith.constant 0 : i32
      scf.yield %scan3A_139 : i32
    }
    %scan3A_66 = arith.constant 32 : i32
    %add3A_67 = arith.constant 64 : i32
    %add3A_68 = arith.addi %mul3A_32, %add3A_67 : i32
    %sub3A_69 = arith.constant 2 : i32
    %sub3A_70 = arith.subi %add3A_68, %sub3A_69 : i32
    %dma_wait3A_71 = arith.constant 0 : i32
    %dma_wait3A_72 = arith.constant 0 : i32
    %dma_wait3A_73 = tpu.memref_slice %arg4[%select_n3A, %sub3A_70, %dma_wait3A_71, %dma_wait3A_72] : memref<16x128x128x128xf32, #tpu.memory_space<hbm>> -> memref<1x1x128x128xf32, #tpu.memory_space<hbm>>
    %dma_wait3A_74 = tpu.memref_squeeze %dma_wait3A_73 : memref<1x1x128x128xf32, #tpu.memory_space<hbm>> -> memref<128x128xf32, #tpu.memory_space<hbm>>
    %dma_wait3A_75 = arith.constant 0 : i32
    %dma_wait3A_76 = arith.constant 0 : i32
    %dma_wait3A_77 = tpu.memref_slice %arg4[%select_n3A, %sub3A_70, %dma_wait3A_75, %dma_wait3A_76] : memref<16x128x128x128xf32, #tpu.memory_space<hbm>> -> memref<1x1x128x128xf32, #tpu.memory_space<hbm>>
    %dma_wait3A_78 = tpu.memref_squeeze %dma_wait3A_77 : memref<1x1x128x128xf32, #tpu.memory_space<hbm>> -> memref<128x128xf32, #tpu.memory_space<hbm>>
    tpu.wait_dma2 semaphore(%arg11 : memref<!tpu.dma_semaphore, #tpu.memory_space<semaphore_mem>>) src(%arg9 : memref<128x128xf32, #tpu.memory_space<vmem>>) dst(%dma_wait3A_78 : memref<128x128xf32, #tpu.memory_space<hbm>>)
    %add3A_79 = arith.constant 64 : i32
    %add3A_80 = arith.addi %mul3A_32, %add3A_79 : i32
    %sub3A_81 = arith.constant 1 : i32
    %sub3A_82 = arith.subi %add3A_80, %sub3A_81 : i32
    %dma_wait3A_83 = arith.constant 0 : i32
    %dma_wait3A_84 = arith.constant 0 : i32
    %dma_wait3A_85 = tpu.memref_slice %arg4[%select_n3A, %sub3A_82, %dma_wait3A_83, %dma_wait3A_84] : memref<16x128x128x128xf32, #tpu.memory_space<hbm>> -> memref<1x1x128x128xf32, #tpu.memory_space<hbm>>
    %dma_wait3A_86 = tpu.memref_squeeze %dma_wait3A_85 : memref<1x1x128x128xf32, #tpu.memory_space<hbm>> -> memref<128x128xf32, #tpu.memory_space<hbm>>
    %dma_wait3A_87 = arith.constant 0 : i32
    %dma_wait3A_88 = arith.constant 0 : i32
    %dma_wait3A_89 = tpu.memref_slice %arg4[%select_n3A, %sub3A_82, %dma_wait3A_87, %dma_wait3A_88] : memref<16x128x128x128xf32, #tpu.memory_space<hbm>> -> memref<1x1x128x128xf32, #tpu.memory_space<hbm>>
    %dma_wait3A_90 = tpu.memref_squeeze %dma_wait3A_89 : memref<1x1x128x128xf32, #tpu.memory_space<hbm>> -> memref<128x128xf32, #tpu.memory_space<hbm>>
    tpu.wait_dma2 semaphore(%arg12 : memref<!tpu.dma_semaphore, #tpu.memory_space<semaphore_mem>>) src(%arg10 : memref<128x128xf32, #tpu.memory_space<vmem>>) dst(%dma_wait3A_90 : memref<128x128xf32, #tpu.memory_space<hbm>>)
    return
  }
}

</mosaic_0001>

<sc_bundles>
// kernel: kernel.3.cloned.1.call-start
scs
__scs_entry_jumppad:
0x0: {  	(pc) =	sbr.rel $0x88, $3  }
0x1: {  	(tag) =	ssettag $0x0;
	lr =	simm.s32 $0x1  }
0x2: {  	[smem:$0x3F9F] =	sst lr;
	_ =	strace $0xD0000000  }
0x3: {  	_ = 	snop  }
0x4: {  	_ = 	snop  }
0x5: {  	_ = 	snop  }
0x6: {  	_ = 	snop  }
0x7: {  	_ = 	snop  }
__scs_overlays_trampoline_lowered:
0x8: {  	[smem:$0x3FAE] =	sst s0  }
0x9: {  	[smem:$0x3FAF] =	sst s1  }
0xa: {  	[smem:$0x3FB0] =	sst s2  }
0xb: {  	[smem:$0x3FB1] =	sst s3  }
0xc: {  	[smem:$0x3FB2] =	sst s4  }
0xd: {  	[smem:$0x3FB3] =	sst s5  }
0xe: {  	[smem:$0x3FB4] =	sst s6  }
0xf: {  	[smem:$0x3FB5] =	sst s7  }
0x10: {  	[smem:$0x3FB6] =	sst s8  }
0x11: {  	[smem:$0x3FB7] =	sst s9;
	s0 =	simm.s32 @!p0 $0x0  }
0x12: {  	s1 =	sld [smem:$0x3F9D];
	s0 =	simm.s32 @p0 $0x1  }
0x13: {  	[smem:$0x3FB8] =	sst s0;
	s0 =	simm.s32 @!p1 $0x0  }
0x14: {  	s2 =	sld [smem:$0x3F9C];
	s0 =	simm.s32 @p1 $0x1  }
0x15: {  	[smem:$0x3FB9] =	sst s0;
	s0 =	simm.s32 @!p2 $0x0  }
0x16: {  	s3 =	sld [smem:$0x3FDB];
	s0 =	simm.s32 @p2 $0x1  }
0x17: {  	s4 =	simm.s32 $0x1BF5;
	[smem:$0x3FBB] =	sst s0  }
0x18: {  	s0 =	sld [smem:$0x3F9E];
	_ =	swait.ge [sflag:s4], $0x0  }
0x19: {  	s7 =	sld [smem:$0x3F9F]  }
0x1a: {  	s8 =	sadd.s32 $0xFFFFE003, lr  }
0x1b: {  	s9 =	sadd.s32 $0xFFFFFEF7, lr;
	s5 =	simm.s32 $0xFFFFFFFF;
	p2 =	slt.u32 s8, $0xFFFFF086  }
0x1c: {  	p1 =	slt.u32 s9, $0xF7A;
	s5 =	simm.s32 @!p2 $0x0  }
0x1d: {  	s5 =	simm.s32 @p1 $0x1;
	p0 =	seq.s32 s7, s2  }
0x1e: {  	s7 =	smul.u32 @!p0 $0xF7A, s2;
	p2 =	seq.s32 @!p0 s5, $0x0  }
0x1f: {  	s9 =	smul.u32 $0xF7A, s1;
	s8 =	simm.s32 @!p0 $0x1BF5;
	p2 =	por !p2, p0  }
0x20: {  	[sflag:s8] =	ssyncset.s32 @!p0 $0xFFFFF086;
	s6 =	sadd.s32 @!p0 s3, s7;
	s7 =	simm.s32 @!p0 $0x108  }
0x21: {  	s3 =	sadd.s32 s3, s9;
	s6 =	sadd.s32 @!p0 $0x88, s6;
	s7 =	simm.s32 @p2 $0x1082  }
0x22: {  	[simem:s7], [sflag:s8] =	dma.local @!p0 [hbm:s6], $0xF7A  }
0x23: {  	s9 =	sor.u32 $0xD0000000, s2;
	s6 =	simm.s32 $0x108;
	_ =	swait.ge @!p0 [sflag:s8], $0x0  }
0x24: {  	s3 =	sadd.s32 $0x88, s3;
	s6 =	simm.s32 @!p1 $0x1082;
	[sflag:s4] =	ssyncset.s32 $0xFFFFF086  }
0x25: {  	[simem:s6], [sflag:s4] =	dma.local [hbm:s3], $0xF7A  }
0x26: {  	[smem:$0x3F9F] =	sst s1;
	(tag) =	ssettag s2;
	_ =	strace s9  }
0x27: {  	s1 =	sld [smem:$0x3FAF]  }
0x28: {  	s2 =	sld [smem:$0x3FB0]  }
0x29: {  	s4 =	sld [smem:$0x3FB2]  }
0x2a: {  	p0 =	seq.s32 s5, $0x0;
	s5 =	sld [smem:$0x3FB3]  }
0x2b: {  	s6 =	sld [smem:$0x3FB4]  }
0x2c: {  	s7 =	sld [smem:$0x3FB5]  }
0x2d: {  	s3 =	simm.s32 $0x108;
	s8 =	sld [smem:$0x3FB6]  }
0x2e: {  	s3 =	simm.s32 @!p0 $0x1082;
	s9 =	sld [smem:$0x3FB7]  }
0x2f: {  	lr =	sadd.s32 s0, s3;
	s0 =	sld [smem:$0x3FAE]  }
0x30: {  	s3 =	sld [smem:$0x3FB1]  }
0x31: {  	[smem:$0x3FBA] =	sst s10  }
0x32: {  	s10 =	sld [smem:$0x3FB8];
	_ =	sdelay $0x3  }
0x33: {  	p0 =	seq.s32 s10, $0x1;
	s10 =	sld [smem:$0x3FBA];
	_ =	sdelay $0x3  }
0x34: {  	[smem:$0x3FBA] =	sst s10  }
0x35: {  	s10 =	sld [smem:$0x3FB9];
	_ =	sdelay $0x3  }
0x36: {  	p1 =	seq.s32 s10, $0x1;
	s10 =	sld [smem:$0x3FBA];
	_ =	sdelay $0x3  }
0x37: {  	[smem:$0x3FBA] =	sst s10  }
0x38: {  	s10 =	sld [smem:$0x3FBB]  }
0x39: {  	_ = 	snop;
	(pc) =	sbr.ind lr, $3  }
0x3a: {  	_ = 	snop  }
0x3b: {  	_ = 	snop  }
0x3c: {  	p2 =	seq.s32 s10, $0x1;
	s10 =	sld [smem:$0x3FBA]  }
0x3d: {  	_ =	shalt  }
0x3e: {  	_ =	shalt  }
0x3f: {  	_ =	shalt  }
0x40: {  	_ =	shalt  }
0x41: {  	_ =	shalt  }
0x42: {  	_ =	shalt  }
0x43: {  	_ =	shalt  }
0x44: {  	_ =	shalt  }
0x45: {  	_ =	shalt  }
0x46: {  	_ =	shalt  }
0x47: {  	_ =	shalt  }
0x48: {  	_ =	shalt  }
0x49: {  	_ =	shalt  }
0x4a: {  	_ =	shalt  }
0x4b: {  	_ =	shalt  }
0x4c: {  	_ =	shalt  }
0x4d: {  	_ =	shalt  }
0x4e: {  	_ =	shalt  }
0x4f: {  	_ =	shalt  }
0x50: {  	_ =	shalt  }
0x51: {  	_ =	shalt  }
0x52: {  	_ =	shalt  }
0x53: {  	_ =	shalt  }
0x54: {  	_ =	shalt  }
0x55: {  	_ =	shalt  }
0x56: {  	_ =	shalt  }
0x57: {  	_ =	shalt  }
0x58: {  	_ =	shalt  }
0x59: {  	_ =	shalt  }
0x5a: {  	_ =	shalt  }
0x5b: {  	_ =	shalt  }
0x5c: {  	_ =	shalt  }
0x5d: {  	_ =	shalt  }
0x5e: {  	_ =	shalt  }
0x5f: {  	_ =	shalt  }
0x60: {  	_ =	shalt  }
0x61: {  	_ =	shalt  }
0x62: {  	_ =	shalt  }
0x63: {  	_ =	shalt  }
0x64: {  	_ =	shalt  }
0x65: {  	_ =	shalt  }
0x66: {  	_ =	shalt  }
0x67: {  	_ =	shalt  }
0x68: {  	_ =	shalt  }
0x69: {  	_ =	shalt  }
0x6a: {  	_ =	shalt  }
0x6b: {  	_ =	shalt  }
0x6c: {  	_ =	shalt  }
0x6d: {  	_ =	shalt  }
0x6e: {  	_ =	shalt  }
0x6f: {  	_ =	shalt  }
0x70: {  	_ =	shalt  }
0x71: {  	_ =	shalt  }
0x72: {  	_ =	shalt  }
0x73: {  	_ =	shalt  }
0x74: {  	_ =	shalt  }
0x75: {  	_ =	shalt  }
0x76: {  	_ =	shalt  }
0x77: {  	_ =	shalt  }
0x78: {  	_ =	shalt  }
0x79: {  	_ =	shalt  }
0x7a: {  	_ =	shalt  }
0x7b: {  	_ =	shalt  }
0x7c: {  	_ =	shalt  }
0x7d: {  	_ =	shalt  }
0x7e: {  	_ =	shalt  }
0x7f: {  	_ =	shalt  }
0x80: {  	_ =	shalt  }
0x81: {  	_ =	shalt  }
0x82: {  	_ =	shalt  }
0x83: {  	_ =	shalt  }
0x84: {  	_ =	shalt  }
0x85: {  	_ =	shalt  }
0x86: {  	_ =	shalt  }
0x87: {  	_ =	shalt  }
.Lfunc_end0:
.L_simem_size_0:
called_computation_lowered:
.L_overlay_start_0:
0x88: {  	s2 =	sld [smem:$0x3FD9]  }
0x89: {  	s3 =	sld [smem:$0x3FFE];
	_ =	sdelay $0x1  }
0x8a: {  	s1 =	srdreg.scid  }
0x8b: {  	s0 =	sand.u32 $0x1, s1  }
0x8c: {  	s17 =	sshll.u32 s0, $0xA;
	s2 =	sadd.s32 s3, s2  }
0x8d: {  	s2 =	sadd.s32 s2, s17  }
0x8e: {  	[smem:$0x3FC6] =	sst s2  }
0x8f: {  	_ = 	snop  }
0x90: {  	s2 =	sld [smem:$0x3FC9]  }
0x91: {  	s18 =	sld [smem:$0x3FD0];
	(tm) =	ssettm $0x1  }
0x92: {  	s4 =	sld [smem:$0x3FFB];
	_ =	sdelay $0x3  }
0x93: {  	_ =	strace s4  }
0x94: {  	s4 =	sld [smem:$0x3FFC];
	_ =	sdelay $0x3  }
0x95: {  	_ =	strace s4  }
0x96: {  	s4 =	sld [smem:$0x3FFD];
	_ =	sdelay $0x3  }
0x97: {  	_ =	strace s4  }
0x98: {  	_ =	strace $0x8FFFFFFF  }
0x99: {  	s19 =	sld [smem:$0x3FDB];
	_ =	sdelay $0x1  }
0x9a: {  	s5 =	simm.s32 $_scs_section_size  }
0x9b: {  	s6 =	simm.s32 $_size__tile_overlayer_lowered;
	s7 =	simm.s32 $_tile_overlayer_lowered  }
0x9c: {  	s22 =	simm.s32 $0x1BFF;
	s21 =	sshll.u32 s7, $0x1;
	s4 =	sadd.s32 s5, s19  }
0x9d: {  	s8 =	simm.s32 $0x0;
	s20 =	sshll.u32 s6, $0x1;
	s6 =	sadd.s32 s21, s4  }
0x9e: {  	[timem:s8], [sflag:s22] =	dma.local [hbm:s6], s20  }
0x9f: {  	_ =	swait.ge [sflag:s22], s20  }
0xa0: {  	s5 =	ssub.s32 $0x0, s20;
	[sflag:s22] =	ssyncset.done $0x0  }
0xa1: {  	[sflag:s22] =	ssyncadd.s32 s5;
	_ =	sdelay $0x1  }
0xa2: {  	s23 =	simm.s32 $0x1B8B  }
0xa3: {  	_ =	swait.ge [sflag:s23], $0x1  }
0xa4: {  	[sflag:s23] =	ssyncset.done $0x0  }
0xa5: {  	s25 =	simm.s32 $0x1B8E;
	s24 =	sld [smem:$0x3FFE];
	[sflag:s23] =	ssyncadd.s32 $0xFFFFFFFF  }
0xa6: {  	s26 =	simm.s32 $execute0_lowered;
	[smem:$0x3FD2] =	sst s25  }
0xa7: {  	s6 =	sshll.u32 s26, $0x1;
	_ =	strace $0x80000046;
	[dreg:$0x1] =	wrdreg $0xFFFFFFFF  }
0xa8: {  	s28 =	simm.s32 $_size_execute0_lowered;
	s4 =	sadd.s32 s4, s6;
	[dreg:$0x0] =	wrdreg $0x0  }
0xa9: {  	s6 =	sshll.u32 s28, $0x1;
	[dreg:$0x2] =	wrdreg s4  }
0xaa: {  	[dreg:$0x3] =	wrdreg s6  }
0xab: {  	[dreg:$0x4] =	wrdreg $0xC0  }
0xac: {  	_ =	task [dreg:s8], $0x5FFFF  }
0xad: {  	[dreg:$0x1] =	wrdreg $0xFFFFFFFF  }
0xae: {  	[dreg:$0x0] =	wrdreg $0x60  }
0xaf: {  	[dreg:$0x2] =	wrdreg s24  }
0xb0: {  	[dreg:$0x3] =	wrdreg s2  }
0xb1: {  	[dreg:$0x4] =	wrdreg s18  }
0xb2: {  	[dreg:$0x5] =	wrdreg $0x9  }
0xb3: {  	_ =	task.clear_ibuf [dreg:s8], $0x6FFFF;
	_ =	strace $0x90000046  }
0xb4: {  	s29 =	simm.s32 $0x9;
	_ =	strace $0x80000048  }
0xb5: {  	_ =	swait.ge [sflag:s29], $0x1  }
0xb6: {  	[sflag:s29] =	ssyncadd.s32 $0xFFFFFFFF  }
0xb7: {  	_ =	strace $0x90000048  }
0xb8: {  	_ =	sfence  }
0xb9: {  	s30 =	sld [smem:$0x0];
	_ =	sdelay $0x2  }
0xba: {  	s31 =	sshll.u32 s1, $0xD;
	s1 =	sshrl.u32 s1, $0x2  }
0xbb: {  	s3 =	sand.u32 $0x4000, s31;
	s1 =	sadd.s32 s1, s30  }
0xbc: {  	s0 =	sor.u32 s3, s0;
	s1 =	sshll.u32 s1, $0x11  }
0xbd: {  	s0 =	sor.u32 s1, s0  }
0xbe: {  	s0 =	sadd.s32 $0x8F2B, s0  }
0xbf: {  	[sflag:s0] =	ssyncadd.remote.s32 $0x1  }
0xc0: {  	_ =	sfence.sel $0xFFFF  }
0xc1: {  	[dreg:$0x0] =	wrdreg $0xFFFFFFFF;
	(pc) =	sbr.abs _section_cstart, $3  }
0xc2: {  	[dreg:$0x1] =	wrdreg $0xFFFFFFFF  }
0xc3: {  	_ =	task.clear_ibuf [dreg:s8], $0x2FFFF;
	_ =	strace $0x9FFFFFFF  }
0xc4: {  	(tm) =	ssettm $0x7FFFFFFF  }
0xc5: {  	_ =	shalt  }
tec
execute0_lowered:
.L_overlay_start_1:
0x0: {  	(tag) =	ssettag $0x1  }
0x1: {  	s1 =	srdreg.scid;
	s6 =	rddreg [dreg:$0x0]  }
0x2: {  	s0 =	stileid.u32;
	s7 =	rddreg [dreg:$0x1];
	s5 =	sand.u32 $0x1, s1  }
0x3: {  	s3 =	simm.s32 $0x1;
	s2 =	rddreg [dreg:$0x2];
	s1 =	sor.u32 s5, s0  }
0x4: {  	s12 =	simm.s32 $0x800;
	p1 =	seq.s32 s5, $0x1;
	p0 =	seq.s32 s1, $0x0  }
0x5: {  	s13 =	simm.s32 $0x3;
	s14 =	simm.s32 $0x10800;
	p0 =	por !p0, !p1  }
0x6: {  	s15 =	simm.s32 $0x14800;
	s16 =	simm.s32 $0x2;
	p0 =	por !p0, !p0  }
0x7: {  	s17 =	simm.s32 $0x0;
	s10 =	ssub.s32 $0x2, s5;
	s3 =	simm.s32 @!p0 $0x0  }
0x8: {  	s5 =	sshll.u32 s5, $0x6;
	s1 =	rddreg [dreg:$0x3];
	s8 =	ssub.s32 s0, s3  }
0x9: {  	s30 =	sshrl.u32 s10, $0x1;
	s3 =	simm.s32 $0x0;
	s4 =	sshll.u32 s8, $0xA  }
0xa: {  	s9 =	sshll.u32 s8, $0x7;
	[smem:$0x7FF] =	sst s3;
	s11 =	sshll.u32 s8, $0xD  }
0xb: {  	s8 =	sshll.u32 s8, $0x15;
	s4 =	sand.u32 $0xFFFFE000, s4;
	s9 =	sand.u32 $0x380, s9  }
0xc: {  	_ =	strace $0x80000047;
	s31 =	sand.u32 $0x1FFFE000, s11;
	s9 =	sor.u32 s9, s4  }
0xd: {  	s11 =	simm.s32 $0x4;
	s4 =	simm.s32 $0x1;
	s9 =	sshrl.u32 s9, $0x3  }
0xe: {  	v2 =	vlaneseq.u32;
	s7 =	sadd.s32 s7, s31;
	s6 =	sadd.s32 s9, s6;
	s9 =	ssub.s32 s10, s30  }
0xf: {  	v1 =	vimm.f32 $0.0e+00;
	v0 =	vmul.u32 $0x2, v2;
	v2 =	vmul.u32 $0x80, v2;
	s10 =	simm.s32 $0x80;
	s6 =	sadd.s32 $0x400, s6;
	s9 =	smax.u32 s9, $0x1  }
.LBB2_1:
0x10: {  	v3 =	vmov s3  }
0x11: {  	s18 =	simm.s32 $0x400;
	v3 =	vshll.u32 v3, $0x1  }
0x12: {  	[tilespmem:s3], [sflag:$0x4] =	stream.strided.gather [hbm4b:s6+s10], $0x400, s18, s10, $0x38;
	v3 =	vor.u32 v0, v3;
	[tilespmem:$0x18800] =	vst v63  }
0x13: {  	_ =	swait.ge [sflag:s11], $0x400  }
0x14: {  	[sflag:s11] =	ssyncset.done $0x0  }
0x15: {  	[sflag:s11] =	ssyncadd.s32 $0xFFFFFC00  }
0x16: {  	[tilespmem:s12], [sflag:$0x3] =	stream.linear.gather [hbm4b:s7+s3], $0x10000, $0x38;
	[tilespmem:$0x18800] =	vst v63  }
0x17: {  	v4 =	vld.idx.msk [tilespmem:v3+s3+$0x0], $0xffff  }
0x18: {  	v3 =	vor.u32 $0x1, v3;
	_ =	sdelay $0x2  }
0x19: {  	s19 =	simm.s32 $0x10  }
0x1a: {  	[tilespmem:s18+$0x0] =	vst v4;
	v4 =	vmov s19  }
0x1b: {  	v3 =	vld.idx.msk [tilespmem:v3+s3+$0x0], $0xffff;
	v4 =	vshll.u32 v4, $0x1  }
0x1c: {  	v4 =	vor.u32 v0, v4;
	_ =	sdelay $0x2  }
0x1d: {  	s18 =	simm.s32 $0x600  }
0x1e: {  	[tilespmem:s18+$0x0] =	vst v3  }
0x1f: {  	v3 =	vld.idx.msk [tilespmem:v4+s3+$0x0], $0xffff  }
0x20: {  	v5 =	vor.u32 $0x1, v4;
	_ =	sdelay $0x2  }
0x21: {  	s19 =	simm.s32 $0x410  }
0x22: {  	s20 =	simm.s32 $0x20;
	[tilespmem:s19+$0x0] =	vst v3  }
0x23: {  	v4 =	vmov s20;
	s20 =	simm.s32 $0x30;
	v3 =	vld.idx.msk [tilespmem:v5+s3+$0x0], $0xffff  }
.LBB2_2:
0x24: {  	p0 =	sne.s32 s20, $0x1F0;
	v4 =	vshll.u32 v4, $0x1  }
0x25: {  	v4 =	vor.u32 v0, v4;
	_ =	sdelay $0x2  }
0x26: {  	s18 =	sadd.s32 $0x10, s18  }
0x27: {  	s21 =	simm.s32 $0x0;
	[tilespmem:s18+$0x0] =	vst v3  }
0x28: {  	v3 =	vld.idx.msk [tilespmem:v4+s21+$0x0], $0xffff;
	_ =	sdelay $0x1  }
0x29: {  	v5 =	vor.u32 $0x1, v4  }
.Ltmp0:
0x2a: {  	(pc) =	sbr.rel @p0 .LBB2_2-.Ltmp0, $4  }
0x2b: {  	_ = 	snop  }
0x2c: {  	s19 =	sadd.s32 $0x10, s19  }
0x2d: {  	[tilespmem:s19+$0x0] =	vst v3  }
0x2e: {  	v4 =	vmov s20;
	s20 =	sadd.s32 $0x10, s20;
	v3 =	vld.idx.msk [tilespmem:v5+s21+$0x0], $0xffff  }
0x2f: {  	v4 =	vshll.u32 v4, $0x1  }
0x30: {  	v4 =	vor.u32 v0, v4;
	_ =	sdelay $0x2  }
0x31: {  	s18 =	sadd.s32 $0x10, s18  }
0x32: {  	[tilespmem:s18+$0x0] =	vst v3  }
0x33: {  	v3 =	vld.idx.msk [tilespmem:v4+s21+$0x0], $0xffff  }
0x34: {  	v4 =	vor.u32 $0x1, v4;
	_ =	sdelay $0x2  }
0x35: {  	s19 =	sadd.s32 $0x10, s19  }
0x36: {  	[tilespmem:s19+$0x0] =	vst v3  }
0x37: {  	p0 =	por $0x1, $0x1;
	v3 =	vld.idx.msk [tilespmem:v4+s21+$0x0], $0xffff  }
.Ltmp1:
0x38: {  	_ = 	snop;
	(pc) =	sbr.rel @!p0 .LBB2_5-.Ltmp1, $3  }
0x39: {  	_ =	sdelay $0x1  }
0x3a: {  	s18 =	sadd.s32 $0x10, s18  }
0x3b: {  	s19 =	simm.s32 $0x200;
	[tilespmem:s18+$0x0] =	vst v3;
	s18 =	simm.s32 $0x0  }
.LBB2_4:
0x3c: {  	p0 =	sne.s32 s19, $0xFE00;
	[tilespmem:s18+$0x14870] =	vst v1  }
0x3d: {  	[tilespmem:s18+$0x10800] =	vst v1  }
0x3e: {  	[tilespmem:s18+$0x14800] =	vst v1  }
0x3f: {  	[tilespmem:s18+$0x10810] =	vst v1  }
0x40: {  	[tilespmem:s18+$0x14810] =	vst v1  }
0x41: {  	[tilespmem:s18+$0x10820] =	vst v1  }
0x42: {  	[tilespmem:s18+$0x14820] =	vst v1  }
0x43: {  	[tilespmem:s18+$0x10830] =	vst v1  }
0x44: {  	[tilespmem:s18+$0x14830] =	vst v1  }
0x45: {  	[tilespmem:s18+$0x10840] =	vst v1  }
0x46: {  	[tilespmem:s18+$0x14840] =	vst v1  }
.Ltmp2:
0x47: {  	[tilespmem:s18+$0x10850] =	vst v1;
	(pc) =	sbr.rel @p0 .LBB2_4-.Ltmp2, $4  }
0x48: {  	[tilespmem:s18+$0x14850] =	vst v1  }
0x49: {  	[tilespmem:s18+$0x10860] =	vst v1  }
0x4a: {  	[tilespmem:s18+$0x14860] =	vst v1  }
0x4b: {  	[tilespmem:s18+$0x10870] =	vst v1;
	s18 =	sshra.s32 s19, $0x2;
	s19 =	sadd.s32 $0x200, s19  }
.LBB2_5:
0x4c: {  	[tilespmem:s18+$0x14870] =	vst v1  }
0x4d: {  	[tilespmem:s18+$0x10800] =	vst v1  }
0x4e: {  	[tilespmem:s18+$0x14800] =	vst v1  }
0x4f: {  	[tilespmem:s18+$0x10810] =	vst v1  }
0x50: {  	[tilespmem:s18+$0x14810] =	vst v1  }
0x51: {  	[tilespmem:s18+$0x10820] =	vst v1  }
0x52: {  	[tilespmem:s18+$0x14820] =	vst v1  }
0x53: {  	[tilespmem:s18+$0x10830] =	vst v1  }
0x54: {  	[tilespmem:s18+$0x14830] =	vst v1  }
0x55: {  	[tilespmem:s18+$0x10840] =	vst v1  }
0x56: {  	[tilespmem:s18+$0x14840] =	vst v1  }
0x57: {  	[tilespmem:s18+$0x10850] =	vst v1  }
0x58: {  	[tilespmem:s18+$0x14850] =	vst v1  }
0x59: {  	[tilespmem:s18+$0x10860] =	vst v1  }
0x5a: {  	[tilespmem:s18+$0x14860] =	vst v1  }
0x5b: {  	[tilespmem:s18+$0x10870] =	vst v1  }
0x5c: {  	_ =	swait.ge [sflag:s13], $0x10000  }
0x5d: {  	[sflag:s13] =	ssyncset.done $0x0  }
0x5e: {  	s18 =	simm.s32 $0x0;
	[sflag:s13] =	ssyncadd.s32 $0xFFFF0000  }
.LBB2_6:
0x5f: {  	p0 =	seq.s32 s18, $0x0;
	s19 =	sshll.u32 s18, $0x1  }
0x60: {  	s21 =	simm.s32 @!p0 $0x1;
	s20 =	sadd.s32 s5, s19  }
0x61: {  	_ =	swait.ge @!p0 [sflag:s21], $0x4000;
	v3 =	vmov s20  }
0x62: {  	s22 =	simm.s32 $0x420;
	s23 =	simm.s32 $0x0;
	[sflag:s21] =	ssyncset.done @!p0 $0x0;
	v3 =	vand.u32 $0x7E, v3  }
0x63: {  	s19 =	sor.u32 $0x1, s20;
	[sflag:s21] =	ssyncadd.s32 @!p0 $0xFFFFC000;
	v3 =	vbroadcast v3, $0x0;
	s21 =	simm.s32 $0x620  }
.LBB2_7:
0x64: {  	v4 =	vmov s23;
	v5 =	vld [tilespmem:s22+$0xFFFFFFE0]  }
0x65: {  	v6 =	vld [tilespmem:s21+$0xFFFFFFE0];
	v4 =	vshll.u32 v4, $0x7  }
0x66: {  	v4 =	vor.u32 v2, v4  }
0x67: {  	v4 =	vor.u32 v3, v4;
	_ =	sdelay $0x2  }
0x68: {  	v7 =	vand.u32 $0xFFFFFF80, v6;
	v5 =	vshll.u32 v5, $0x7  }
0x69: {  	v6 =	vand.u32 $0x7F, v6;
	v5 =	vadd.s32 v5, v7  }
0x6a: {  	v5 =	vor.u32 v6, v5;
	v4 =	vld.idx.msk [tilespmem:v4+s12+$0x0], $0xffff;
	_ =	sdelay $0x4  }
0x6b: {  	s24 =	sadd.s32 $0x10, s23;
	[tilespmem:v5+s14+$0x0] =	vst.idx.msk $0xffff, v4  }
0x6c: {  	v4 =	vmov s24;
	v5 =	vld [tilespmem:s22+$0xFFFFFFF0]  }
0x6d: {  	v4 =	vshll.u32 v4, $0x7;
	v58 =	vld [tilespmem:s21+$0xFFFFFFF0]  }
0x6e: {  	v4 =	vor.u32 v2, v4  }
0x6f: {  	v4 =	vor.u32 v3, v4;
	_ =	sdelay $0x2  }
0x70: {  	v59 =	vand.u32 $0xFFFFFF80, v58;
	v5 =	vshll.u32 v5, $0x7  }
0x71: {  	v6 =	vand.u32 $0x7F, v58;
	v5 =	vadd.s32 v5, v59  }
0x72: {  	v4 =	vld.idx.msk [tilespmem:v4+s12+$0x0], $0xffff;
	v5 =	vor.u32 v6, v5;
	_ =	sdelay $0x4  }
0x73: {  	s30 =	sadd.s32 $0x20, s23;
	[tilespmem:v5+s14+$0x0] =	vst.idx.msk $0xffff, v4  }
0x74: {  	v4 =	vmov s30;
	v5 =	vld [tilespmem:s22+$0x0]  }
0x75: {  	v4 =	vshll.u32 v4, $0x7;
	v60 =	vld [tilespmem:s21+$0x0]  }
0x76: {  	v4 =	vor.u32 v2, v4  }
0x77: {  	v4 =	vor.u32 v3, v4;
	_ =	sdelay $0x2  }
0x78: {  	v61 =	vand.u32 $0xFFFFFF80, v60;
	v5 =	vshll.u32 v5, $0x7  }
0x79: {  	v6 =	vand.u32 $0x7F, v60;
	v5 =	vadd.s32 v5, v61  }
0x7a: {  	v4 =	vld.idx.msk [tilespmem:v4+s12+$0x0], $0xffff;
	v5 =	vor.u32 v6, v5;
	_ =	sdelay $0x4  }
0x7b: {  	s31 =	sadd.s32 $0x30, s23;
	[tilespmem:v5+s14+$0x0] =	vst.idx.msk $0xffff, v4  }
0x7c: {  	v4 =	vmov s31;
	v5 =	vld [tilespmem:s22+$0x10]  }
0x7d: {  	v4 =	vshll.u32 v4, $0x7;
	v62 =	vld [tilespmem:s21+$0x10]  }
0x7e: {  	v4 =	vor.u32 v2, v4  }
0x7f: {  	v4 =	vor.u32 v3, v4;
	_ =	sdelay $0x2  }
0x80: {  	v63 =	vand.u32 $0xFFFFFF80, v62;
	v5 =	vshll.u32 v5, $0x7  }
0x81: {  	v6 =	vand.u32 $0x7F, v62;
	v5 =	vadd.s32 v5, v63  }
0x82: {  	p1 =	sne.s32 s23, $0x1C0;
	v4 =	vld.idx.msk [tilespmem:v4+s12+$0x0], $0xffff;
	v5 =	vor.u32 v6, v5  }
.Ltmp3:
0x83: {  	_ = 	snop;
	(pc) =	sbr.rel @p1 .LBB2_7-.Ltmp3, $2  }
0x84: {  	_ =	sdelay $0x2  }
0x85: {  	s23 =	sadd.s32 $0x40, s23;
	s21 =	sadd.s32 $0x40, s21;
	s22 =	sadd.s32 $0x40, s22;
	[tilespmem:v5+s14+$0x0] =	vst.idx.msk $0xffff, v4  }
0x86: {  	s20 =	sshll.u32 s20, $0xE  }
0x87: {  	s20 =	sadd.s32 s8, s20  }
0x88: {  	s20 =	sshrl.u32 s20, $0x3  }
0x89: {  	s20 =	sadd.s32 s2, s20  }
0x8a: {  	[hbm4b:s20+s3] =	stream.linear.scatter [tilespmem:s14], [sflag:$0x1], $0x4000, $0x38;
	[tilespmem:$0x18800] =	vst v63  }
0x8b: {  	s20 =	simm.s32 @!p0 $0x2  }
0x8c: {  	v3 =	vmov s19;
	_ =	swait.ge @!p0 [sflag:s20], $0x4000  }
0x8d: {  	s21 =	simm.s32 $0x620;
	v3 =	vand.u32 $0x7F, v3;
	[sflag:s20] =	ssyncset.done @!p0 $0x0  }
0x8e: {  	s22 =	simm.s32 $0x420;
	v3 =	vbroadcast v3, $0x0;
	[sflag:s20] =	ssyncadd.s32 @!p0 $0xFFFFC000;
	s20 =	simm.s32 $0x0  }
.LBB2_9:
0x8f: {  	v4 =	vmov s20;
	v5 =	vld [tilespmem:s22+$0xFFFFFFE0]  }
0x90: {  	v6 =	vld [tilespmem:s21+$0xFFFFFFE0];
	v4 =	vshll.u32 v4, $0x7  }
0x91: {  	v4 =	vor.u32 v2, v4  }
0x92: {  	v4 =	vor.u32 v3, v4;
	_ =	sdelay $0x2  }
0x93: {  	v7 =	vand.u32 $0xFFFFFF80, v6;
	v5 =	vshll.u32 v5, $0x7  }
0x94: {  	v6 =	vand.u32 $0x7F, v6;
	v5 =	vadd.s32 v5, v7  }
0x95: {  	v5 =	vor.u32 v6, v5;
	v4 =	vld.idx.msk [tilespmem:v4+s12+$0x0], $0xffff;
	_ =	sdelay $0x4  }
0x96: {  	s23 =	sadd.s32 $0x10, s20;
	[tilespmem:v5+s15+$0x0] =	vst.idx.msk $0xffff, v4  }
0x97: {  	v4 =	vmov s23;
	v5 =	vld [tilespmem:s22+$0xFFFFFFF0]  }
0x98: {  	v4 =	vshll.u32 v4, $0x7;
	v58 =	vld [tilespmem:s21+$0xFFFFFFF0]  }
0x99: {  	v4 =	vor.u32 v2, v4  }
0x9a: {  	v4 =	vor.u32 v3, v4;
	_ =	sdelay $0x2  }
0x9b: {  	v59 =	vand.u32 $0xFFFFFF80, v58;
	v5 =	vshll.u32 v5, $0x7  }
0x9c: {  	v6 =	vand.u32 $0x7F, v58;
	v5 =	vadd.s32 v5, v59  }
0x9d: {  	v4 =	vld.idx.msk [tilespmem:v4+s12+$0x0], $0xffff;
	v5 =	vor.u32 v6, v5;
	_ =	sdelay $0x4  }
0x9e: {  	s30 =	sadd.s32 $0x20, s20;
	[tilespmem:v5+s15+$0x0] =	vst.idx.msk $0xffff, v4  }
0x9f: {  	v4 =	vmov s30;
	v5 =	vld [tilespmem:s22+$0x0]  }
0xa0: {  	v4 =	vshll.u32 v4, $0x7;
	v60 =	vld [tilespmem:s21+$0x0]  }
0xa1: {  	v4 =	vor.u32 v2, v4  }
0xa2: {  	v4 =	vor.u32 v3, v4;
	_ =	sdelay $0x2  }
0xa3: {  	v61 =	vand.u32 $0xFFFFFF80, v60;
	v5 =	vshll.u32 v5, $0x7  }
0xa4: {  	v6 =	vand.u32 $0x7F, v60;
	v5 =	vadd.s32 v5, v61  }
0xa5: {  	v4 =	vld.idx.msk [tilespmem:v4+s12+$0x0], $0xffff;
	v5 =	vor.u32 v6, v5;
	_ =	sdelay $0x4  }
0xa6: {  	s31 =	sadd.s32 $0x30, s20;
	[tilespmem:v5+s15+$0x0] =	vst.idx.msk $0xffff, v4  }
0xa7: {  	v4 =	vmov s31;
	v5 =	vld [tilespmem:s22+$0x10]  }
0xa8: {  	v4 =	vshll.u32 v4, $0x7;
	v62 =	vld [tilespmem:s21+$0x10]  }
0xa9: {  	v4 =	vor.u32 v2, v4  }
0xaa: {  	v4 =	vor.u32 v3, v4;
	_ =	sdelay $0x2  }
0xab: {  	v63 =	vand.u32 $0xFFFFFF80, v62;
	v5 =	vshll.u32 v5, $0x7  }
0xac: {  	v6 =	vand.u32 $0x7F, v62;
	v5 =	vadd.s32 v5, v63  }
0xad: {  	p0 =	sne.s32 s20, $0x1C0;
	v4 =	vld.idx.msk [tilespmem:v4+s12+$0x0], $0xffff;
	v5 =	vor.u32 v6, v5  }
.Ltmp4:
0xae: {  	_ = 	snop;
	(pc) =	sbr.rel @p0 .LBB2_9-.Ltmp4, $2  }
0xaf: {  	_ =	sdelay $0x2  }
0xb0: {  	s20 =	sadd.s32 $0x40, s20;
	s21 =	sadd.s32 $0x40, s21;
	s22 =	sadd.s32 $0x40, s22;
	[tilespmem:v5+s15+$0x0] =	vst.idx.msk $0xffff, v4  }
0xb1: {  	s18 =	sadd.s32 $0x1, s18  }
0xb2: {  	p0 =	sne.s32 s18, $0x20  }
.Ltmp5:
0xb3: {  	s19 =	sshll.u32 s19, $0xE;
	(pc) =	sbr.rel @p0 .LBB2_6-.Ltmp5, $4  }
0xb4: {  	s19 =	sadd.s32 s8, s19  }
0xb5: {  	s19 =	sshrl.u32 s19, $0x3  }
0xb6: {  	s19 =	sadd.s32 s2, s19  }
0xb7: {  	[hbm4b:s19+s3] =	stream.linear.scatter [tilespmem:s15], [sflag:$0x2], $0x4000, $0x38;
	[tilespmem:$0x18800] =	vst v63  }
0xb8: {  	s17 =	sadd.s32 $0x1, s17  }
0xb9: {  	_ =	swait.ge [sflag:s4], $0x4000;
	p0 =	sne.s32 s17, s9  }
.Ltmp6:
0xba: {  	[sflag:s4] =	ssyncset.done $0x0;
	(pc) =	sbr.rel @p0 .LBB2_1-.Ltmp6, $4  }
0xbb: {  	[sflag:s4] =	ssyncadd.s32 $0xFFFFC000  }
0xbc: {  	_ =	swait.ge [sflag:s16], $0x4000  }
0xbd: {  	[sflag:s16] =	ssyncset.done $0x0  }
0xbe: {  	[sflag:s16] =	ssyncadd.s32 $0xFFFFC000  }
0xbf: {  	_ =	sfence.sel $0x180000  }
0xc0: {  	[bflag:$0x0] =	sbarrier.arrive $0xFFFF  }
0xc1: {  	p0 =	sne.s32 s0, $0x0;
	_ =	strace $0x90000047  }
0xc2: {  	s0 =	sadd.s32 @!p0 $0x100000, s1;
	[bflag:$0x2] =	sbarrier.arrive $0xFFFF  }
0xc3: {  	[sflag:s0] =	ssyncadd.tile.s32 @!p0 $0x1;
	_ =	shalt  }
.Lfunc_end2:
_tile_overlayer_lowered:
.L_overlay_start_2:
0xc4: {  	(tag) =	ssettag $0x2  }
0xc5: {  	s0 =	rddreg [dreg:$0x0];
	s2 =	stileid.u32  }
0xc6: {  	s1 =	rddreg [dreg:$0x1];
	p0 =	sne.s32 s2, $0x0  }
0xc7: {  	s3 =	rddreg [dreg:$0x2];
	[bflag:$0x3] =	sbarrier.arrive $0xFFFF;
	s2 =	simm.s32 @!p0 $0x1C04  }
0xc8: {  	[timem:s3], [sflag:s2] =	dma.local @!p0 [hbm:s0], s1  }
0xc9: {  	s0 =	simm.s32 @!p0 $0x4  }
0xca: {  	_ =	swait.ge @!p0 [sflag:s0], s1  }
0xcb: {  	s1 =	ssub.s32 @!p0 $0x0, s1;
	[sflag:s0] =	ssyncset.done @!p0 $0x0  }
0xcc: {  	[sflag:s0] =	ssyncadd.s32 @!p0 s1  }
0xcd: {  	[bflag:$0x3] =	sbarrier.arrive $0xFFFF  }
0xce: {  	_ =	shalt  }

</sc_bundles>
